<compile_context>
chip_gen: v7x
topology: tpu7x:2x2x1
jax: 0.10.2.dev20260603
libtpu: 0.0.44.dev20260713+nightly
codegen_flags: <defaults>
</compile_context>

<pallas_src>
import functools

import jax
import jax.numpy as jnp
from jax import lax
from jax.experimental import pallas as pl
from jax.experimental.pallas import tpu as pltpu
from jax.experimental.pallas import tpu_sc as plsc

_B = 16384
_L = 16
_NS = 16
_CHUNK = _B // _NS
_NITER = _CHUNK // _L

_mesh = plsc.VectorSubcoreMesh(
    core_axis_name="c", subcore_axis_name="s", num_cores=1)


@functools.partial(
    pl.kernel,
    mesh=_mesh,
    out_type=jax.ShapeDtypeStruct((_L,), jnp.float32),
    scratch_types=[
        pltpu.VMEM((_CHUNK,), jnp.float32),
        pltpu.VMEM((_CHUNK,), jnp.float32),
        pltpu.VMEM((_CHUNK,), jnp.float32),
        pltpu.VMEM((2 * _L,), jnp.float32),
        pltpu.VMEM_SHARED((_NS * 2 * _L,), jnp.float32),
        pltpu.VMEM((_NS * 2 * _L,), jnp.float32),
        pltpu.SemaphoreType.DMA,
    ],
)
def _masked_mse_sc(o_hbm, t_hbm, m_hbm, out_hbm,
                   o_v, t_v, m_v, stage_v, part_sh, part_rd, sem):
    sid = lax.axis_index("s")
    base = sid * _CHUNK

    c1 = pltpu.async_copy(o_hbm.at[pl.ds(base, _CHUNK)], o_v, sem)
    c2 = pltpu.async_copy(t_hbm.at[pl.ds(base, _CHUNK)], t_v, sem)
    c3 = pltpu.async_copy(m_hbm.at[pl.ds(base, _CHUNK)], m_v, sem)
    c1.wait()
    c2.wait()
    c3.wait()

    def body(i, carry):
        acc_s, acc_c = carry
        o = o_v[pl.ds(i * _L, _L)]
        t = t_v[pl.ds(i * _L, _L)]
        m = m_v[pl.ds(i * _L, _L)]
        d = o - t
        return acc_s + d * d * m, acc_c + m

    zero = jnp.zeros((_L,), jnp.float32)
    acc_s, acc_c = lax.fori_loop(0, _NITER, body, (zero, zero))

    stage_v[pl.ds(0, _L)] = acc_s
    stage_v[pl.ds(_L, _L)] = acc_c
    pltpu.sync_copy(stage_v, part_sh.at[pl.ds(sid * 2 * _L, 2 * _L)])
    plsc.subcore_barrier()

    @pl.when(sid == 0)
    def _finalize():
        pltpu.sync_copy(part_sh, part_rd)

        def body2(i, carry):
            a_s, a_c = carry
            return (a_s + part_rd[pl.ds(i * 2 * _L, _L)],
                    a_c + part_rd[pl.ds(i * 2 * _L + _L, _L)])

        tot_s, tot_c = lax.fori_loop(0, _NS, body2, (zero, zero))

        sse = tot_s[0]
        cnt = tot_c[0]
        for i in range(1, _L):
            sse = sse + tot_s[i]
            cnt = cnt + tot_c[i]

        one_v = jnp.ones((_L,), jnp.float32)
        cnt_v = jnp.broadcast_to(cnt, (_L,))
        cnt_c = jnp.maximum(cnt_v, one_v)
        inv = one_v / cnt_c
        inv = inv * (2.0 - cnt_c * inv)
        inv = inv * (2.0 - cnt_c * inv)
        mse_v = jnp.where(cnt_v > 0.0,
                          jnp.broadcast_to(sse, (_L,)) * inv,
                          jnp.zeros((_L,), jnp.float32))
        stage_v[pl.ds(0, _L)] = mse_v
        pltpu.sync_copy(stage_v.at[pl.ds(0, _L)], out_hbm)


def kernel(outputs, targets, precondition):
    o = outputs.reshape(_B)
    t = targets.reshape(_B)
    m = precondition.reshape(_B).astype(jnp.float32)
    out = _masked_mse_sc(o, t, m)
    return out[0]

# --- scband reference (transcript-rebuilt; emitter-appended) ---
"""Pipeline reference for scband-base-metric-decorator-81681688035599 (READ-ONLY COPY).

The authoritative reference and input builder live on the scoring server;
editing this copy changes nothing except your own understanding.
"""

import jax, jax.numpy as jnp
import numpy as np

B = 16384

def setup_inputs(seed: int = 0) -> dict:
    key = jax.random.key(seed)
    k1, k2, k3 = jax.random.split(key, 3)
    outputs = jax.random.normal(k1, (B, 1), dtype=jnp.float32)
    targets = jax.random.normal(k2, (B, 1), dtype=jnp.float32)
    precondition = jax.random.randint(k3, (B, 1), 0, 2).astype(jnp.bool_)
    return {"outputs": outputs, "targets": targets, "precondition": precondition}

def reference(outputs, targets, precondition):
    # BaseMetricDecorator.compute_with_precondition with metric = MSE:
    #   precondition = squeeze_last_dim_if_needed(precondition)
    #   if precondition.sum() == 0: return 0.0  (handle_empty_precondition)
    #   metric(outputs[precondition], targets[precondition])
    pre = jnp.squeeze(precondition, axis=-1)            # squeeze_last_dim_if_needed
    mask = pre.astype(outputs.dtype)[:, None]           # boolean gather expressed as mask
    count = jnp.sum(mask)
    sq = (outputs - targets) ** 2
    sse = jnp.sum(sq * mask)
    # MSE over the selected rows; 0.0 when precondition is empty
    mse = jnp.where(count > 0, sse / jnp.maximum(count, 1.0), jnp.asarray(0.0, dtype=outputs.dtype))
    return mse

if __name__ == "__main__":
    import jax
    _d = setup_inputs()
    print(jax.jit(kernel)(*tuple(_d.values())))

</pallas_src>

<mosaic_0001>
#map = affine_map<(d0, d1) -> (0)>
module attributes {stable_mosaic.version = 14 : i64} {
  func.func @_masked_mse_sc(%arg0: i32, %arg1: i32, %arg2: memref<16384xf32, #tpu.memory_space<hbm>>, %arg3: memref<16384xf32, #tpu.memory_space<hbm>>, %arg4: memref<16384xf32, #tpu.memory_space<hbm>>, %arg5: memref<16xf32, #tpu.memory_space<hbm>>, %arg6: memref<1024xf32, #tpu.memory_space<vmem>>, %arg7: memref<1024xf32, #tpu.memory_space<vmem>>, %arg8: memref<1024xf32, #tpu.memory_space<vmem>>, %arg9: memref<32xf32, #tpu.memory_space<vmem>>, %arg10: memref<512xf32, #tpu.memory_space<vmem_shared>>, %arg11: memref<512xf32, #tpu.memory_space<vmem>>, %arg12: memref<!tpu.dma_semaphore, #tpu.memory_space<semaphore_mem>>) attributes {dimension_semantics = [#tpu.dimension_semantics<core_parallel>, #tpu.dimension_semantics<subcore_parallel>], iteration_bounds = array<i64: 1, 16>, scalar_prefetch = 0 : i64, scratch_operands = 7 : i64, tpu.core_type = #tpu.core_type<sc_vector_subcore>, window_params = [{transform_indices = #map}, {transform_indices = #map}, {transform_indices = #map}, {transform_indices = #map}]} {
    %mul3A = arith.constant 1024 : i32
    %mul3A_0 = arith.muli %arg1, %mul3A : i32
    %dma_start3A = tpu.memref_slice %arg2[%mul3A_0] : memref<16384xf32, #tpu.memory_space<hbm>> -> memref<1024xf32, #tpu.memory_space<hbm>>
    %dma_start3A_1 = tpu.memref_slice %arg2[%mul3A_0] : memref<16384xf32, #tpu.memory_space<hbm>> -> memref<1024xf32, #tpu.memory_space<hbm>>
    tpu.enqueue_dma source(%dma_start3A_1 : memref<1024xf32, #tpu.memory_space<hbm>>) target(%arg6 : memref<1024xf32, #tpu.memory_space<vmem>>) target_semaphore(%arg12 : memref<!tpu.dma_semaphore, #tpu.memory_space<semaphore_mem>>)
    %dma_start3A_2 = tpu.memref_slice %arg3[%mul3A_0] : memref<16384xf32, #tpu.memory_space<hbm>> -> memref<1024xf32, #tpu.memory_space<hbm>>
    %dma_start3A_3 = tpu.memref_slice %arg3[%mul3A_0] : memref<16384xf32, #tpu.memory_space<hbm>> -> memref<1024xf32, #tpu.memory_space<hbm>>
    tpu.enqueue_dma source(%dma_start3A_3 : memref<1024xf32, #tpu.memory_space<hbm>>) target(%arg7 : memref<1024xf32, #tpu.memory_space<vmem>>) target_semaphore(%arg12 : memref<!tpu.dma_semaphore, #tpu.memory_space<semaphore_mem>>)
    %dma_start3A_4 = tpu.memref_slice %arg4[%mul3A_0] : memref<16384xf32, #tpu.memory_space<hbm>> -> memref<1024xf32, #tpu.memory_space<hbm>>
    %dma_start3A_5 = tpu.memref_slice %arg4[%mul3A_0] : memref<16384xf32, #tpu.memory_space<hbm>> -> memref<1024xf32, #tpu.memory_space<hbm>>
    tpu.enqueue_dma source(%dma_start3A_5 : memref<1024xf32, #tpu.memory_space<hbm>>) target(%arg8 : memref<1024xf32, #tpu.memory_space<vmem>>) target_semaphore(%arg12 : memref<!tpu.dma_semaphore, #tpu.memory_space<semaphore_mem>>)
    %dma_wait3A = tpu.memref_slice %arg2[%mul3A_0] : memref<16384xf32, #tpu.memory_space<hbm>> -> memref<1024xf32, #tpu.memory_space<hbm>>
    %dma_wait3A_6 = tpu.memref_slice %arg2[%mul3A_0] : memref<16384xf32, #tpu.memory_space<hbm>> -> memref<1024xf32, #tpu.memory_space<hbm>>
    tpu.wait_dma2 semaphore(%arg12 : memref<!tpu.dma_semaphore, #tpu.memory_space<semaphore_mem>>) src(%dma_wait3A_6 : memref<1024xf32, #tpu.memory_space<hbm>>) dst(%arg6 : memref<1024xf32, #tpu.memory_space<vmem>>)
    %dma_wait3A_7 = tpu.memref_slice %arg3[%mul3A_0] : memref<16384xf32, #tpu.memory_space<hbm>> -> memref<1024xf32, #tpu.memory_space<hbm>>
    %dma_wait3A_8 = tpu.memref_slice %arg3[%mul3A_0] : memref<16384xf32, #tpu.memory_space<hbm>> -> memref<1024xf32, #tpu.memory_space<hbm>>
    tpu.wait_dma2 semaphore(%arg12 : memref<!tpu.dma_semaphore, #tpu.memory_space<semaphore_mem>>) src(%dma_wait3A_8 : memref<1024xf32, #tpu.memory_space<hbm>>) dst(%arg7 : memref<1024xf32, #tpu.memory_space<vmem>>)
    %dma_wait3A_9 = tpu.memref_slice %arg4[%mul3A_0] : memref<16384xf32, #tpu.memory_space<hbm>> -> memref<1024xf32, #tpu.memory_space<hbm>>
    %dma_wait3A_10 = tpu.memref_slice %arg4[%mul3A_0] : memref<16384xf32, #tpu.memory_space<hbm>> -> memref<1024xf32, #tpu.memory_space<hbm>>
    tpu.wait_dma2 semaphore(%arg12 : memref<!tpu.dma_semaphore, #tpu.memory_space<semaphore_mem>>) src(%dma_wait3A_10 : memref<1024xf32, #tpu.memory_space<hbm>>) dst(%arg8 : memref<1024xf32, #tpu.memory_space<vmem>>)
    %broadcast_in_dim3A = arith.constant 0.000000e+00 : f32
    %broadcast_in_dim3A_11 = vector.broadcast %broadcast_in_dim3A : f32 to vector<16xf32>
    %scan3A = arith.constant 0 : i32
    %scan3A_12 = arith.constant 64 : i32
    %scan3A_13 = arith.addi %scan3A, %scan3A_12 : i32
    %scan3A_14 = arith.constant 1 : i32
    %scan3A_15:2 = scf.for %scan3A_30 = %scan3A to %scan3A_13 step %scan3A_14 iter_args(%scan3A_31 = %broadcast_in_dim3A_11, %scan3A_32 = %broadcast_in_dim3A_11) -> (vector<16xf32>, vector<16xf32>)  : i32 {
      %mul3A_33 = arith.constant 16 : i32
      %mul3A_34 = arith.muli %scan3A_30, %mul3A_33 : i32
      %get3A = arith.index_cast %mul3A_34 : i32 to index
      %get3A_35 = tpu.vector_load %arg6[%get3A] {strides = array<i32>} : memref<1024xf32, #tpu.memory_space<vmem>>, vector<16xf32>,
      %get3A_36 = vector.shape_cast %get3A_35 : vector<16xf32> to vector<16xf32>
      %mul3A_37 = arith.constant 16 : i32
      %mul3A_38 = arith.muli %scan3A_30, %mul3A_37 : i32
      %get3A_39 = arith.index_cast %mul3A_38 : i32 to index
      %get3A_40 = tpu.vector_load %arg7[%get3A_39] {strides = array<i32>} : memref<1024xf32, #tpu.memory_space<vmem>>, vector<16xf32>,
      %get3A_41 = vector.shape_cast %get3A_40 : vector<16xf32> to vector<16xf32>
      %mul3A_42 = arith.constant 16 : i32
      %mul3A_43 = arith.muli %scan3A_30, %mul3A_42 : i32
      %get3A_44 = arith.index_cast %mul3A_43 : i32 to index
      %get3A_45 = tpu.vector_load %arg8[%get3A_44] {strides = array<i32>} : memref<1024xf32, #tpu.memory_space<vmem>>, vector<16xf32>,
      %get3A_46 = vector.shape_cast %get3A_45 : vector<16xf32> to vector<16xf32>
      %sub3A = arith.subf %get3A_36, %get3A_41 : vector<16xf32>
      %mul3A_47 = arith.mulf %sub3A, %sub3A : vector<16xf32>
      %mul3A_48 = arith.mulf %mul3A_47, %get3A_46 : vector<16xf32>
      %add3A = arith.addf %scan3A_31, %mul3A_48 : vector<16xf32>
      %add3A_49 = arith.addf %scan3A_32, %get3A_46 : vector<16xf32>
      scf.yield %add3A, %add3A_49 : vector<16xf32>, vector<16xf32>
    }
    %scan3A_16 = arith.constant 64 : i32
    %swap3A = arith.constant 0 : index
    %swap3A_17 = tpu.vector_load %arg9[%swap3A] {strides = array<i32>} : memref<32xf32, #tpu.memory_space<vmem>>, vector<16xf32>,
    %swap3A_18 = vector.shape_cast %swap3A_17 : vector<16xf32> to vector<16xf32>
    %swap3A_19 = vector.shape_cast %scan3A_15#0 : vector<16xf32> to vector<16xf32>
    tpu.vector_store %arg9[%swap3A], %swap3A_19 {strides = array<i32>} : memref<32xf32, #tpu.memory_space<vmem>>, vector<16xf32>,
    %swap3A_20 = arith.constant 16 : index
    %swap3A_21 = tpu.vector_load %arg9[%swap3A_20] {strides = array<i32>} : memref<32xf32, #tpu.memory_space<vmem>>, vector<16xf32>,
    %swap3A_22 = vector.shape_cast %swap3A_21 : vector<16xf32> to vector<16xf32>
    %swap3A_23 = vector.shape_cast %scan3A_15#1 : vector<16xf32> to vector<16xf32>
    tpu.vector_store %arg9[%swap3A_20], %swap3A_23 {strides = array<i32>} : memref<32xf32, #tpu.memory_space<vmem>>, vector<16xf32>,
    %mul3A_24 = arith.constant 2 : i32
    %mul3A_25 = arith.muli %arg1, %mul3A_24 : i32
    %mul3A_26 = arith.constant 16 : i32
    %mul3A_27 = arith.muli %mul3A_25, %mul3A_26 : i32
    "tpu.region"() ({
      %run_scoped3A = tpu.sem_alloc : memref<!tpu.dma_semaphore, #tpu.memory_space<semaphore_mem>>
      %dma_start3A_30 = tpu.memref_slice %arg10[%mul3A_27] : memref<512xf32, #tpu.memory_space<vmem_shared>> -> memref<32xf32, #tpu.memory_space<vmem_shared>>
      %dma_start3A_31 = tpu.memref_slice %arg10[%mul3A_27] : memref<512xf32, #tpu.memory_space<vmem_shared>> -> memref<32xf32, #tpu.memory_space<vmem_shared>>
      tpu.enqueue_dma source(%arg9 : memref<32xf32, #tpu.memory_space<vmem>>) target(%dma_start3A_31 : memref<32xf32, #tpu.memory_space<vmem_shared>>) target_semaphore(%run_scoped3A : memref<!tpu.dma_semaphore, #tpu.memory_space<semaphore_mem>>)
      %dma_wait3A_32 = tpu.memref_slice %arg10[%mul3A_27] : memref<512xf32, #tpu.memory_space<vmem_shared>> -> memref<32xf32, #tpu.memory_space<vmem_shared>>
      %dma_wait3A_33 = tpu.memref_slice %arg10[%mul3A_27] : memref<512xf32, #tpu.memory_space<vmem_shared>> -> memref<32xf32, #tpu.memory_space<vmem_shared>>
      tpu.wait_dma2 semaphore(%run_scoped3A : memref<!tpu.dma_semaphore, #tpu.memory_space<semaphore_mem>>) src(%arg9 : memref<32xf32, #tpu.memory_space<vmem>>) dst(%dma_wait3A_33 : memref<32xf32, #tpu.memory_space<vmem_shared>>)
      tpu.yield
    }) : () -> ()
    %barrier3A = arith.constant 0 : index
    tpu.barrier barrier_id(%barrier3A)
    %eq3A = arith.constant 0 : i32
    %eq3A_28 = arith.cmpi eq, %arg1, %eq3A : i32
    %convert_element_type3A = arith.extui %eq3A_28 : i1 to i32
    %cond3A = arith.constant 0 : i32
    %cond3A_29 = arith.cmpi ne, %convert_element_type3A, %cond3A : i32
    scf.if %cond3A_29 {
      "tpu.region"() ({
        %run_scoped3A = tpu.sem_alloc : memref<!tpu.dma_semaphore, #tpu.memory_space<semaphore_mem>>
        tpu.enqueue_dma source(%arg10 : memref<512xf32, #tpu.memory_space<vmem_shared>>) target(%arg11 : memref<512xf32, #tpu.memory_space<vmem>>) target_semaphore(%run_scoped3A : memref<!tpu.dma_semaphore, #tpu.memory_space<semaphore_mem>>)
        tpu.wait_dma2 semaphore(%run_scoped3A : memref<!tpu.dma_semaphore, #tpu.memory_space<semaphore_mem>>) src(%arg10 : memref<512xf32, #tpu.memory_space<vmem_shared>>) dst(%arg11 : memref<512xf32, #tpu.memory_space<vmem>>)
        tpu.yield
      }) : () -> ()
      %scan3A_30 = arith.constant 0 : i32
      %scan3A_31 = arith.constant 16 : i32
      %scan3A_32 = arith.addi %scan3A_30, %scan3A_31 : i32
      %scan3A_33 = arith.constant 1 : i32
      %scan3A_34:2 = scf.for %scan3A_149 = %scan3A_30 to %scan3A_32 step %scan3A_33 iter_args(%scan3A_150 = %broadcast_in_dim3A_11, %scan3A_151 = %broadcast_in_dim3A_11) -> (vector<16xf32>, vector<16xf32>)  : i32 {
        %mul3A_152 = arith.constant 2 : i32
        %mul3A_153 = arith.muli %scan3A_149, %mul3A_152 : i32
        %mul3A_154 = arith.constant 16 : i32
        %mul3A_155 = arith.muli %mul3A_153, %mul3A_154 : i32
        %get3A = arith.index_cast %mul3A_155 : i32 to index
        %get3A_156 = tpu.vector_load %arg11[%get3A] {strides = array<i32>} : memref<512xf32, #tpu.memory_space<vmem>>, vector<16xf32>,
        %get3A_157 = vector.shape_cast %get3A_156 : vector<16xf32> to vector<16xf32>
        %add3A_158 = arith.addf %scan3A_150, %get3A_157 : vector<16xf32>
        %mul3A_159 = arith.constant 2 : i32
        %mul3A_160 = arith.muli %scan3A_149, %mul3A_159 : i32
        %mul3A_161 = arith.constant 16 : i32
        %mul3A_162 = arith.muli %mul3A_160, %mul3A_161 : i32
        %add3A_163 = arith.constant 16 : i32
        %add3A_164 = arith.addi %mul3A_162, %add3A_163 : i32
        %get3A_165 = arith.index_cast %add3A_164 : i32 to index
        %get3A_166 = tpu.vector_load %arg11[%get3A_165] {strides = array<i32>} : memref<512xf32, #tpu.memory_space<vmem>>, vector<16xf32>,
        %get3A_167 = vector.shape_cast %get3A_166 : vector<16xf32> to vector<16xf32>
        %add3A_168 = arith.addf %scan3A_151, %get3A_167 : vector<16xf32>
        scf.yield %add3A_158, %add3A_168 : vector<16xf32>, vector<16xf32>
      }
      %scan3A_35 = arith.constant 16 : i32
      %slice3A = vector.extract_strided_slice %scan3A_34#0 {offsets = [0], sizes = [1], strides = [1]} : vector<16xf32> to vector<1xf32>
      %squeeze3A = vector.extract %slice3A[0] : f32 from vector<1xf32>
      %slice3A_36 = vector.extract_strided_slice %scan3A_34#1 {offsets = [0], sizes = [1], strides = [1]} : vector<16xf32> to vector<1xf32>
      %squeeze3A_37 = vector.extract %slice3A_36[0] : f32 from vector<1xf32>
      %slice3A_38 = vector.extract_strided_slice %scan3A_34#0 {offsets = [1], sizes = [1], strides = [1]} : vector<16xf32> to vector<1xf32>
      %squeeze3A_39 = vector.extract %slice3A_38[0] : f32 from vector<1xf32>
      %add3A = arith.addf %squeeze3A, %squeeze3A_39 : f32
      %slice3A_40 = vector.extract_strided_slice %scan3A_34#1 {offsets = [1], sizes = [1], strides = [1]} : vector<16xf32> to vector<1xf32>
      %squeeze3A_41 = vector.extract %slice3A_40[0] : f32 from vector<1xf32>
      %add3A_42 = arith.addf %squeeze3A_37, %squeeze3A_41 : f32
      %slice3A_43 = vector.extract_strided_slice %scan3A_34#0 {offsets = [2], sizes = [1], strides = [1]} : vector<16xf32> to vector<1xf32>
      %squeeze3A_44 = vector.extract %slice3A_43[0] : f32 from vector<1xf32>
      %add3A_45 = arith.addf %add3A, %squeeze3A_44 : f32
      %slice3A_46 = vector.extract_strided_slice %scan3A_34#1 {offsets = [2], sizes = [1], strides = [1]} : vector<16xf32> to vector<1xf32>
      %squeeze3A_47 = vector.extract %slice3A_46[0] : f32 from vector<1xf32>
      %add3A_48 = arith.addf %add3A_42, %squeeze3A_47 : f32
      %slice3A_49 = vector.extract_strided_slice %scan3A_34#0 {offsets = [3], sizes = [1], strides = [1]} : vector<16xf32> to vector<1xf32>
      %squeeze3A_50 = vector.extract %slice3A_49[0] : f32 from vector<1xf32>
      %add3A_51 = arith.addf %add3A_45, %squeeze3A_50 : f32
      %slice3A_52 = vector.extract_strided_slice %scan3A_34#1 {offsets = [3], sizes = [1], strides = [1]} : vector<16xf32> to vector<1xf32>
      %squeeze3A_53 = vector.extract %slice3A_52[0] : f32 from vector<1xf32>
      %add3A_54 = arith.addf %add3A_48, %squeeze3A_53 : f32
      %slice3A_55 = vector.extract_strided_slice %scan3A_34#0 {offsets = [4], sizes = [1], strides = [1]} : vector<16xf32> to vector<1xf32>
      %squeeze3A_56 = vector.extract %slice3A_55[0] : f32 from vector<1xf32>
      %add3A_57 = arith.addf %add3A_51, %squeeze3A_56 : f32
      %slice3A_58 = vector.extract_strided_slice %scan3A_34#1 {offsets = [4], sizes = [1], strides = [1]} : vector<16xf32> to vector<1xf32>
      %squeeze3A_59 = vector.extract %slice3A_58[0] : f32 from vector<1xf32>
      %add3A_60 = arith.addf %add3A_54, %squeeze3A_59 : f32
      %slice3A_61 = vector.extract_strided_slice %scan3A_34#0 {offsets = [5], sizes = [1], strides = [1]} : vector<16xf32> to vector<1xf32>
      %squeeze3A_62 = vector.extract %slice3A_61[0] : f32 from vector<1xf32>
      %add3A_63 = arith.addf %add3A_57, %squeeze3A_62 : f32
      %slice3A_64 = vector.extract_strided_slice %scan3A_34#1 {offsets = [5], sizes = [1], strides = [1]} : vector<16xf32> to vector<1xf32>
      %squeeze3A_65 = vector.extract %slice3A_64[0] : f32 from vector<1xf32>
      %add3A_66 = arith.addf %add3A_60, %squeeze3A_65 : f32
      %slice3A_67 = vector.extract_strided_slice %scan3A_34#0 {offsets = [6], sizes = [1], strides = [1]} : vector<16xf32> to vector<1xf32>
      %squeeze3A_68 = vector.extract %slice3A_67[0] : f32 from vector<1xf32>
      %add3A_69 = arith.addf %add3A_63, %squeeze3A_68 : f32
      %slice3A_70 = vector.extract_strided_slice %scan3A_34#1 {offsets = [6], sizes = [1], strides = [1]} : vector<16xf32> to vector<1xf32>
      %squeeze3A_71 = vector.extract %slice3A_70[0] : f32 from vector<1xf32>
      %add3A_72 = arith.addf %add3A_66, %squeeze3A_71 : f32
      %slice3A_73 = vector.extract_strided_slice %scan3A_34#0 {offsets = [7], sizes = [1], strides = [1]} : vector<16xf32> to vector<1xf32>
      %squeeze3A_74 = vector.extract %slice3A_73[0] : f32 from vector<1xf32>
      %add3A_75 = arith.addf %add3A_69, %squeeze3A_74 : f32
      %slice3A_76 = vector.extract_strided_slice %scan3A_34#1 {offsets = [7], sizes = [1], strides = [1]} : vector<16xf32> to vector<1xf32>
      %squeeze3A_77 = vector.extract %slice3A_76[0] : f32 from vector<1xf32>
      %add3A_78 = arith.addf %add3A_72, %squeeze3A_77 : f32
      %slice3A_79 = vector.extract_strided_slice %scan3A_34#0 {offsets = [8], sizes = [1], strides = [1]} : vector<16xf32> to vector<1xf32>
      %squeeze3A_80 = vector.extract %slice3A_79[0] : f32 from vector<1xf32>
      %add3A_81 = arith.addf %add3A_75, %squeeze3A_80 : f32
      %slice3A_82 = vector.extract_strided_slice %scan3A_34#1 {offsets = [8], sizes = [1], strides = [1]} : vector<16xf32> to vector<1xf32>
      %squeeze3A_83 = vector.extract %slice3A_82[0] : f32 from vector<1xf32>
      %add3A_84 = arith.addf %add3A_78, %squeeze3A_83 : f32
      %slice3A_85 = vector.extract_strided_slice %scan3A_34#0 {offsets = [9], sizes = [1], strides = [1]} : vector<16xf32> to vector<1xf32>
      %squeeze3A_86 = vector.extract %slice3A_85[0] : f32 from vector<1xf32>
      %add3A_87 = arith.addf %add3A_81, %squeeze3A_86 : f32
      %slice3A_88 = vector.extract_strided_slice %scan3A_34#1 {offsets = [9], sizes = [1], strides = [1]} : vector<16xf32> to vector<1xf32>
      %squeeze3A_89 = vector.extract %slice3A_88[0] : f32 from vector<1xf32>
      %add3A_90 = arith.addf %add3A_84, %squeeze3A_89 : f32
      %slice3A_91 = vector.extract_strided_slice %scan3A_34#0 {offsets = [10], sizes = [1], strides = [1]} : vector<16xf32> to vector<1xf32>
      %squeeze3A_92 = vector.extract %slice3A_91[0] : f32 from vector<1xf32>
      %add3A_93 = arith.addf %add3A_87, %squeeze3A_92 : f32
      %slice3A_94 = vector.extract_strided_slice %scan3A_34#1 {offsets = [10], sizes = [1], strides = [1]} : vector<16xf32> to vector<1xf32>
      %squeeze3A_95 = vector.extract %slice3A_94[0] : f32 from vector<1xf32>
      %add3A_96 = arith.addf %add3A_90, %squeeze3A_95 : f32
      %slice3A_97 = vector.extract_strided_slice %scan3A_34#0 {offsets = [11], sizes = [1], strides = [1]} : vector<16xf32> to vector<1xf32>
      %squeeze3A_98 = vector.extract %slice3A_97[0] : f32 from vector<1xf32>
      %add3A_99 = arith.addf %add3A_93, %squeeze3A_98 : f32
      %slice3A_100 = vector.extract_strided_slice %scan3A_34#1 {offsets = [11], sizes = [1], strides = [1]} : vector<16xf32> to vector<1xf32>
      %squeeze3A_101 = vector.extract %slice3A_100[0] : f32 from vector<1xf32>
      %add3A_102 = arith.addf %add3A_96, %squeeze3A_101 : f32
      %slice3A_103 = vector.extract_strided_slice %scan3A_34#0 {offsets = [12], sizes = [1], strides = [1]} : vector<16xf32> to vector<1xf32>
      %squeeze3A_104 = vector.extract %slice3A_103[0] : f32 from vector<1xf32>
      %add3A_105 = arith.addf %add3A_99, %squeeze3A_104 : f32
      %slice3A_106 = vector.extract_strided_slice %scan3A_34#1 {offsets = [12], sizes = [1], strides = [1]} : vector<16xf32> to vector<1xf32>
      %squeeze3A_107 = vector.extract %slice3A_106[0] : f32 from vector<1xf32>
      %add3A_108 = arith.addf %add3A_102, %squeeze3A_107 : f32
      %slice3A_109 = vector.extract_strided_slice %scan3A_34#0 {offsets = [13], sizes = [1], strides = [1]} : vector<16xf32> to vector<1xf32>
      %squeeze3A_110 = vector.extract %slice3A_109[0] : f32 from vector<1xf32>
      %add3A_111 = arith.addf %add3A_105, %squeeze3A_110 : f32
      %slice3A_112 = vector.extract_strided_slice %scan3A_34#1 {offsets = [13], sizes = [1], strides = [1]} : vector<16xf32> to vector<1xf32>
      %squeeze3A_113 = vector.extract %slice3A_112[0] : f32 from vector<1xf32>
      %add3A_114 = arith.addf %add3A_108, %squeeze3A_113 : f32
      %slice3A_115 = vector.extract_strided_slice %scan3A_34#0 {offsets = [14], sizes = [1], strides = [1]} : vector<16xf32> to vector<1xf32>
      %squeeze3A_116 = vector.extract %slice3A_115[0] : f32 from vector<1xf32>
      %add3A_117 = arith.addf %add3A_111, %squeeze3A_116 : f32
      %slice3A_118 = vector.extract_strided_slice %scan3A_34#1 {offsets = [14], sizes = [1], strides = [1]} : vector<16xf32> to vector<1xf32>
      %squeeze3A_119 = vector.extract %slice3A_118[0] : f32 from vector<1xf32>
      %add3A_120 = arith.addf %add3A_114, %squeeze3A_119 : f32
      %slice3A_121 = vector.extract_strided_slice %scan3A_34#0 {offsets = [15], sizes = [1], strides = [1]} : vector<16xf32> to vector<1xf32>
      %squeeze3A_122 = vector.extract %slice3A_121[0] : f32 from vector<1xf32>
      %add3A_123 = arith.addf %add3A_117, %squeeze3A_122 : f32
      %slice3A_124 = vector.extract_strided_slice %scan3A_34#1 {offsets = [15], sizes = [1], strides = [1]} : vector<16xf32> to vector<1xf32>
      %squeeze3A_125 = vector.extract %slice3A_124[0] : f32 from vector<1xf32>
      %add3A_126 = arith.addf %add3A_120, %squeeze3A_125 : f32
      %broadcast_in_dim3A_127 = arith.constant 1.000000e+00 : f32
      %broadcast_in_dim3A_128 = vector.broadcast %broadcast_in_dim3A_127 : f32 to vector<16xf32>
      %broadcast_in_dim3A_129 = vector.broadcast %add3A_126 : f32 to vector<16xf32>
      %max3A = arith.maximumf %broadcast_in_dim3A_129, %broadcast_in_dim3A_128 : vector<16xf32>
      %div3A = arith.divf %broadcast_in_dim3A_128, %max3A : vector<16xf32>
      %mul3A_130 = arith.mulf %max3A, %div3A : vector<16xf32>
      %sub3A = arith.constant 2.000000e+00 : f32
      %sub3A_131 = vector.broadcast %sub3A : f32 to vector<16xf32>
      %sub3A_132 = arith.subf %sub3A_131, %mul3A_130 : vector<16xf32>
      %mul3A_133 = arith.mulf %div3A, %sub3A_132 : vector<16xf32>
      %mul3A_134 = arith.mulf %max3A, %mul3A_133 : vector<16xf32>
      %sub3A_135 = arith.constant 2.000000e+00 : f32
      %sub3A_136 = vector.broadcast %sub3A_135 : f32 to vector<16xf32>
      %sub3A_137 = arith.subf %sub3A_136, %mul3A_134 : vector<16xf32>
      %mul3A_138 = arith.mulf %mul3A_133, %sub3A_137 : vector<16xf32>
      %gt3A = arith.constant 0.000000e+00 : f32
      %gt3A_139 = vector.broadcast %gt3A : f32 to vector<16xf32>
      %gt3A_140 = arith.cmpf ogt, %broadcast_in_dim3A_129, %gt3A_139 : vector<16xf32>
      %broadcast_in_dim3A_141 = vector.broadcast %add3A_123 : f32 to vector<16xf32>
      %mul3A_142 = arith.mulf %broadcast_in_dim3A_141, %mul3A_138 : vector<16xf32>
      %broadcast_in_dim3A_143 = arith.constant 0.000000e+00 : f32
      %broadcast_in_dim3A_144 = vector.broadcast %broadcast_in_dim3A_143 : f32 to vector<16xf32>
      %select_n3A = arith.select %gt3A_140, %mul3A_142, %broadcast_in_dim3A_144 : vector<16xi1>, vector<16xf32>
      %swap3A_145 = arith.constant 0 : index
      %swap3A_146 = tpu.vector_load %arg9[%swap3A_145] {strides = array<i32>} : memref<32xf32, #tpu.memory_space<vmem>>, vector<16xf32>,
      %swap3A_147 = vector.shape_cast %swap3A_146 : vector<16xf32> to vector<16xf32>
      %swap3A_148 = vector.shape_cast %select_n3A : vector<16xf32> to vector<16xf32>
      tpu.vector_store %arg9[%swap3A_145], %swap3A_148 {strides = array<i32>} : memref<32xf32, #tpu.memory_space<vmem>>, vector<16xf32>,
      "tpu.region"() ({
        %run_scoped3A = tpu.sem_alloc : memref<!tpu.dma_semaphore, #tpu.memory_space<semaphore_mem>>
        %dma_start3A_149 = arith.constant 0 : i32
        %dma_start3A_150 = tpu.memref_slice %arg9[%dma_start3A_149] : memref<32xf32, #tpu.memory_space<vmem>> -> memref<16xf32, #tpu.memory_space<vmem>>
        %dma_start3A_151 = arith.constant 0 : i32
        %dma_start3A_152 = tpu.memref_slice %arg9[%dma_start3A_151] : memref<32xf32, #tpu.memory_space<vmem>> -> memref<16xf32, #tpu.memory_space<vmem>>
        tpu.enqueue_dma source(%dma_start3A_152 : memref<16xf32, #tpu.memory_space<vmem>>) target(%arg5 : memref<16xf32, #tpu.memory_space<hbm>>) target_semaphore(%run_scoped3A : memref<!tpu.dma_semaphore, #tpu.memory_space<semaphore_mem>>)
        %dma_wait3A_153 = arith.constant 0 : i32
        %dma_wait3A_154 = tpu.memref_slice %arg9[%dma_wait3A_153] : memref<32xf32, #tpu.memory_space<vmem>> -> memref<16xf32, #tpu.memory_space<vmem>>
        %dma_wait3A_155 = arith.constant 0 : i32
        %dma_wait3A_156 = tpu.memref_slice %arg9[%dma_wait3A_155] : memref<32xf32, #tpu.memory_space<vmem>> -> memref<16xf32, #tpu.memory_space<vmem>>
        tpu.wait_dma2 semaphore(%run_scoped3A : memref<!tpu.dma_semaphore, #tpu.memory_space<semaphore_mem>>) src(%dma_wait3A_156 : memref<16xf32, #tpu.memory_space<vmem>>) dst(%arg5 : memref<16xf32, #tpu.memory_space<hbm>>)
        tpu.yield
      }) : () -> ()
    } else {
    }
    return
  }
}

</mosaic_0001>

<sc_bundles>
// kernel: kernel.3.cloned.1.call-start
scs
__scs_entry_jumppad:
0x0: {  	(pc) =	sbr.rel $0x88, $3  }
0x1: {  	(tag) =	ssettag $0x0;
	lr =	simm.s32 $0x1  }
0x2: {  	[smem:$0x3F9E] =	sst lr;
	_ =	strace $0xD0000000  }
0x3: {  	_ = 	snop  }
0x4: {  	_ = 	snop  }
0x5: {  	_ = 	snop  }
0x6: {  	_ = 	snop  }
0x7: {  	_ = 	snop  }
__scs_overlays_trampoline_lowered:
0x8: {  	[smem:$0x3FAD] =	sst s0  }
0x9: {  	[smem:$0x3FAE] =	sst s1  }
0xa: {  	[smem:$0x3FAF] =	sst s2  }
0xb: {  	[smem:$0x3FB0] =	sst s3  }
0xc: {  	[smem:$0x3FB1] =	sst s4  }
0xd: {  	[smem:$0x3FB2] =	sst s5  }
0xe: {  	[smem:$0x3FB3] =	sst s6  }
0xf: {  	[smem:$0x3FB4] =	sst s7  }
0x10: {  	[smem:$0x3FB5] =	sst s8  }
0x11: {  	[smem:$0x3FB6] =	sst s9;
	s0 =	simm.s32 @!p0 $0x0  }
0x12: {  	s1 =	sld [smem:$0x3F9C];
	s0 =	simm.s32 @p0 $0x1  }
0x13: {  	[smem:$0x3FB7] =	sst s0;
	s0 =	simm.s32 @!p1 $0x0  }
0x14: {  	s2 =	sld [smem:$0x3F9B];
	s0 =	simm.s32 @p1 $0x1  }
0x15: {  	[smem:$0x3FB8] =	sst s0;
	s0 =	simm.s32 @!p2 $0x0  }
0x16: {  	s3 =	sld [smem:$0x3FDB];
	s0 =	simm.s32 @p2 $0x1  }
0x17: {  	s4 =	simm.s32 $0x1BF5;
	[smem:$0x3FBA] =	sst s0  }
0x18: {  	s0 =	sld [smem:$0x3F9D];
	_ =	swait.ge [sflag:s4], $0x0  }
0x19: {  	s7 =	sld [smem:$0x3F9E]  }
0x1a: {  	s8 =	sadd.s32 $0xFFFFE003, lr  }
0x1b: {  	s9 =	sadd.s32 $0xFFFFFEF7, lr;
	s5 =	simm.s32 $0xFFFFFFFF;
	p2 =	slt.u32 s8, $0xFFFFF086  }
0x1c: {  	p1 =	slt.u32 s9, $0xF7A;
	s5 =	simm.s32 @!p2 $0x0  }
0x1d: {  	s5 =	simm.s32 @p1 $0x1;
	p0 =	seq.s32 s7, s2  }
0x1e: {  	s7 =	smul.u32 @!p0 $0xF7A, s2;
	p2 =	seq.s32 @!p0 s5, $0x0  }
0x1f: {  	s9 =	smul.u32 $0xF7A, s1;
	s8 =	simm.s32 @!p0 $0x1BF5;
	p2 =	por !p2, p0  }
0x20: {  	[sflag:s8] =	ssyncset.s32 @!p0 $0xFFFFF086;
	s6 =	sadd.s32 @!p0 s3, s7;
	s7 =	simm.s32 @!p0 $0x108  }
0x21: {  	s3 =	sadd.s32 s3, s9;
	s6 =	sadd.s32 @!p0 $0x88, s6;
	s7 =	simm.s32 @p2 $0x1082  }
0x22: {  	[simem:s7], [sflag:s8] =	dma.local @!p0 [hbm:s6], $0xF7A  }
0x23: {  	s9 =	sor.u32 $0xD0000000, s2;
	s6 =	simm.s32 $0x108;
	_ =	swait.ge @!p0 [sflag:s8], $0x0  }
0x24: {  	s3 =	sadd.s32 $0x88, s3;
	s6 =	simm.s32 @!p1 $0x1082;
	[sflag:s4] =	ssyncset.s32 $0xFFFFF086  }
0x25: {  	[simem:s6], [sflag:s4] =	dma.local [hbm:s3], $0xF7A  }
0x26: {  	[smem:$0x3F9E] =	sst s1;
	(tag) =	ssettag s2;
	_ =	strace s9  }
0x27: {  	s1 =	sld [smem:$0x3FAE]  }
0x28: {  	s2 =	sld [smem:$0x3FAF]  }
0x29: {  	s4 =	sld [smem:$0x3FB1]  }
0x2a: {  	p0 =	seq.s32 s5, $0x0;
	s5 =	sld [smem:$0x3FB2]  }
0x2b: {  	s6 =	sld [smem:$0x3FB3]  }
0x2c: {  	s7 =	sld [smem:$0x3FB4]  }
0x2d: {  	s3 =	simm.s32 $0x108;
	s8 =	sld [smem:$0x3FB5]  }
0x2e: {  	s3 =	simm.s32 @!p0 $0x1082;
	s9 =	sld [smem:$0x3FB6]  }
0x2f: {  	lr =	sadd.s32 s0, s3;
	s0 =	sld [smem:$0x3FAD]  }
0x30: {  	s3 =	sld [smem:$0x3FB0]  }
0x31: {  	[smem:$0x3FB9] =	sst s10  }
0x32: {  	s10 =	sld [smem:$0x3FB7];
	_ =	sdelay $0x3  }
0x33: {  	p0 =	seq.s32 s10, $0x1;
	s10 =	sld [smem:$0x3FB9];
	_ =	sdelay $0x3  }
0x34: {  	[smem:$0x3FB9] =	sst s10  }
0x35: {  	s10 =	sld [smem:$0x3FB8];
	_ =	sdelay $0x3  }
0x36: {  	p1 =	seq.s32 s10, $0x1;
	s10 =	sld [smem:$0x3FB9];
	_ =	sdelay $0x3  }
0x37: {  	[smem:$0x3FB9] =	sst s10  }
0x38: {  	s10 =	sld [smem:$0x3FBA]  }
0x39: {  	_ = 	snop;
	(pc) =	sbr.ind lr, $3  }
0x3a: {  	_ = 	snop  }
0x3b: {  	_ = 	snop  }
0x3c: {  	p2 =	seq.s32 s10, $0x1;
	s10 =	sld [smem:$0x3FB9]  }
0x3d: {  	_ =	shalt  }
0x3e: {  	_ =	shalt  }
0x3f: {  	_ =	shalt  }
0x40: {  	_ =	shalt  }
0x41: {  	_ =	shalt  }
0x42: {  	_ =	shalt  }
0x43: {  	_ =	shalt  }
0x44: {  	_ =	shalt  }
0x45: {  	_ =	shalt  }
0x46: {  	_ =	shalt  }
0x47: {  	_ =	shalt  }
0x48: {  	_ =	shalt  }
0x49: {  	_ =	shalt  }
0x4a: {  	_ =	shalt  }
0x4b: {  	_ =	shalt  }
0x4c: {  	_ =	shalt  }
0x4d: {  	_ =	shalt  }
0x4e: {  	_ =	shalt  }
0x4f: {  	_ =	shalt  }
0x50: {  	_ =	shalt  }
0x51: {  	_ =	shalt  }
0x52: {  	_ =	shalt  }
0x53: {  	_ =	shalt  }
0x54: {  	_ =	shalt  }
0x55: {  	_ =	shalt  }
0x56: {  	_ =	shalt  }
0x57: {  	_ =	shalt  }
0x58: {  	_ =	shalt  }
0x59: {  	_ =	shalt  }
0x5a: {  	_ =	shalt  }
0x5b: {  	_ =	shalt  }
0x5c: {  	_ =	shalt  }
0x5d: {  	_ =	shalt  }
0x5e: {  	_ =	shalt  }
0x5f: {  	_ =	shalt  }
0x60: {  	_ =	shalt  }
0x61: {  	_ =	shalt  }
0x62: {  	_ =	shalt  }
0x63: {  	_ =	shalt  }
0x64: {  	_ =	shalt  }
0x65: {  	_ =	shalt  }
0x66: {  	_ =	shalt  }
0x67: {  	_ =	shalt  }
0x68: {  	_ =	shalt  }
0x69: {  	_ =	shalt  }
0x6a: {  	_ =	shalt  }
0x6b: {  	_ =	shalt  }
0x6c: {  	_ =	shalt  }
0x6d: {  	_ =	shalt  }
0x6e: {  	_ =	shalt  }
0x6f: {  	_ =	shalt  }
0x70: {  	_ =	shalt  }
0x71: {  	_ =	shalt  }
0x72: {  	_ =	shalt  }
0x73: {  	_ =	shalt  }
0x74: {  	_ =	shalt  }
0x75: {  	_ =	shalt  }
0x76: {  	_ =	shalt  }
0x77: {  	_ =	shalt  }
0x78: {  	_ =	shalt  }
0x79: {  	_ =	shalt  }
0x7a: {  	_ =	shalt  }
0x7b: {  	_ =	shalt  }
0x7c: {  	_ =	shalt  }
0x7d: {  	_ =	shalt  }
0x7e: {  	_ =	shalt  }
0x7f: {  	_ =	shalt  }
0x80: {  	_ =	shalt  }
0x81: {  	_ =	shalt  }
0x82: {  	_ =	shalt  }
0x83: {  	_ =	shalt  }
0x84: {  	_ =	shalt  }
0x85: {  	_ =	shalt  }
0x86: {  	_ =	shalt  }
0x87: {  	_ =	shalt  }
.Lfunc_end0:
.L_simem_size_0:
called_computation_lowered:
.L_overlay_start_0:
0x88: {  	s0 =	sld [smem:$0x3FD9]  }
0x89: {  	s1 =	sld [smem:$0x3FFE];
	_ =	sdelay $0x3  }
0x8a: {  	s0 =	sadd.s32 s1, s0  }
0x8b: {  	[smem:$0x3FC5] =	sst s0  }
0x8c: {  	_ = 	snop  }
0x8d: {  	s0 =	sld [smem:$0x3FC9]  }
0x8e: {  	s16 =	sld [smem:$0x3FC8]  }
0x8f: {  	s2 =	sld [smem:$0x3FD0];
	(tm) =	ssettm $0x1  }
0x90: {  	s3 =	sld [smem:$0x3FFB];
	_ =	sdelay $0x3  }
0x91: {  	_ =	strace s3  }
0x92: {  	s3 =	sld [smem:$0x3FFC];
	_ =	sdelay $0x3  }
0x93: {  	_ =	strace s3  }
0x94: {  	s3 =	sld [smem:$0x3FFD];
	_ =	sdelay $0x3  }
0x95: {  	_ =	strace s3  }
0x96: {  	_ =	strace $0x8FFFFFFF  }
0x97: {  	s17 =	sld [smem:$0x3FDB];
	_ =	sdelay $0x1  }
0x98: {  	s4 =	simm.s32 $_scs_section_size  }
0x99: {  	s5 =	simm.s32 $_size__tile_overlayer_lowered;
	s6 =	simm.s32 $_tile_overlayer_lowered  }
0x9a: {  	s20 =	simm.s32 $0x1BFF;
	s19 =	sshll.u32 s6, $0x1;
	s3 =	sadd.s32 s4, s17  }
0x9b: {  	s7 =	simm.s32 $0x0;
	s18 =	sshll.u32 s5, $0x1;
	s5 =	sadd.s32 s19, s3  }
0x9c: {  	[timem:s7], [sflag:s20] =	dma.local [hbm:s5], s18  }
0x9d: {  	_ =	swait.ge [sflag:s20], s18  }
0x9e: {  	s4 =	ssub.s32 $0x0, s18;
	[sflag:s20] =	ssyncset.done $0x0  }
0x9f: {  	[sflag:s20] =	ssyncadd.s32 s4;
	_ =	sdelay $0x1  }
0xa0: {  	s21 =	simm.s32 $0x1B8B  }
0xa1: {  	_ =	swait.ge [sflag:s21], $0x1  }
0xa2: {  	[sflag:s21] =	ssyncset.done $0x0  }
0xa3: {  	s23 =	simm.s32 $0x1B8E;
	s22 =	sld [smem:$0x3FFE];
	[sflag:s21] =	ssyncadd.s32 $0xFFFFFFFF  }
0xa4: {  	s24 =	simm.s32 $execute0_lowered;
	[smem:$0x3FD2] =	sst s23  }
0xa5: {  	s5 =	sshll.u32 s24, $0x1;
	_ =	strace $0x80000046;
	[dreg:$0x1] =	wrdreg $0xFFFFFFFF  }
0xa6: {  	s25 =	simm.s32 $_size_execute0_lowered;
	s3 =	sadd.s32 s3, s5;
	[dreg:$0x0] =	wrdreg $0x0  }
0xa7: {  	s5 =	sshll.u32 s25, $0x1;
	[dreg:$0x2] =	wrdreg s3  }
0xa8: {  	[dreg:$0x3] =	wrdreg s5  }
0xa9: {  	[dreg:$0x4] =	wrdreg $0xC0  }
0xaa: {  	_ =	task [dreg:s7], $0x5FFFF  }
0xab: {  	[dreg:$0x1] =	wrdreg $0xFFFFFFFF  }
0xac: {  	[dreg:$0x0] =	wrdreg $0x60  }
0xad: {  	[dreg:$0x2] =	wrdreg s0  }
0xae: {  	[dreg:$0x3] =	wrdreg s16  }
0xaf: {  	[dreg:$0x4] =	wrdreg s22  }
0xb0: {  	[dreg:$0x5] =	wrdreg s2  }
0xb1: {  	[dreg:$0x6] =	wrdreg $0xC800  }
0xb2: {  	[dreg:$0x7] =	wrdreg $0x9  }
0xb3: {  	_ =	task.clear_ibuf [dreg:s7], $0x8FFFF;
	_ =	strace $0x90000046  }
0xb4: {  	s26 =	simm.s32 $0x9;
	_ =	strace $0x80000048  }
0xb5: {  	_ =	swait.ge [sflag:s26], $0x1  }
0xb6: {  	[sflag:s26] =	ssyncadd.s32 $0xFFFFFFFF  }
0xb7: {  	_ =	strace $0x90000048  }
0xb8: {  	_ =	sfence  }
0xb9: {  	s28 =	sld [smem:$0x0];
	_ =	sdelay $0x1  }
0xba: {  	s29 =	srdreg.scid  }
0xbb: {  	s30 =	sshll.u32 s29, $0xD;
	s31 =	sshrl.u32 s29, $0x2  }
0xbc: {  	s1 =	sand.u32 $0x1, s29;
	s2 =	sand.u32 $0x4000, s30;
	s0 =	sadd.s32 s31, s28  }
0xbd: {  	s1 =	sor.u32 s2, s1;
	s0 =	sshll.u32 s0, $0x11  }
0xbe: {  	s0 =	sor.u32 s0, s1  }
0xbf: {  	s0 =	sadd.s32 $0x8F2B, s0  }
0xc0: {  	[sflag:s0] =	ssyncadd.remote.s32 $0x1  }
0xc1: {  	_ =	sfence.sel $0xFFFF  }
0xc2: {  	[dreg:$0x0] =	wrdreg $0xFFFFFFFF;
	(pc) =	sbr.abs _section_cstart, $3  }
0xc3: {  	[dreg:$0x1] =	wrdreg $0xFFFFFFFF  }
0xc4: {  	_ =	task.clear_ibuf [dreg:s7], $0x2FFFF;
	_ =	strace $0x9FFFFFFF  }
0xc5: {  	(tm) =	ssettm $0x7FFFFFFF  }
tec
execute0_lowered:
.L_overlay_start_1:
0x0: {  	(tag) =	ssettag $0x1  }
0x1: {  	s3 =	rddreg [dreg:$0x0]  }
0x2: {  	s6 =	rddreg [dreg:$0x1]  }
0x3: {  	s7 =	rddreg [dreg:$0x2]  }
0x4: {  	s1 =	rddreg [dreg:$0x3]  }
0x5: {  	s4 =	rddreg [dreg:$0x4];
	s8 =	simm.s32 $0x0;
	s5 =	stileid.u32  }
0x6: {  	[smem:$0x7FF] =	sst s8;
	s2 =	sshll.u32 s5, $0x7  }
0x7: {  	s0 =	rddreg [dreg:$0x5];
	_ =	strace $0x80000047;
	s3 =	sadd.s32 s3, s2  }
0x8: {  	[tilespmem:s8], [sflag:$0x1] =	stream.linear.gather [hbm4b:s3+s8], $0x400, $0x38;
	[tilespmem:$0xEA0] =	vst v63  }
0x9: {  	s28 =	simm.s32 $0x400;
	s26 =	sadd.s32 s2, s7;
	s6 =	sadd.s32 s6, s2  }
0xa: {  	[tilespmem:s28], [sflag:$0x1] =	stream.linear.gather [hbm4b:s6+s8], $0x400, $0x38;
	[tilespmem:$0xEA0] =	vst v63  }
0xb: {  	s29 =	simm.s32 $0x800;
	s30 =	simm.s32 $0x1;
	s3 =	sadd.s32 $0x400, s26  }
0xc: {  	[tilespmem:s29], [sflag:$0x1] =	stream.linear.gather [hbm4b:s3+s8], $0x400, $0x38;
	[tilespmem:$0xEA0] =	vst v63  }
0xd: {  	_ =	swait.ge [sflag:s30], $0x400  }
0xe: {  	[sflag:s30] =	ssyncset.done $0x0  }
0xf: {  	[sflag:s30] =	ssyncadd.s32 $0xFFFFFC00  }
0x10: {  	_ =	swait.ge [sflag:s30], $0x400  }
0x11: {  	[sflag:s30] =	ssyncset.done $0x0  }
0x12: {  	[sflag:s30] =	ssyncadd.s32 $0xFFFFFC00  }
0x13: {  	_ =	swait.ge [sflag:s30], $0x400  }
0x14: {  	[sflag:s30] =	ssyncset.done $0x0  }
0x15: {  	s31 =	simm.s32 $0x0;
	[sflag:s30] =	ssyncadd.s32 $0xFFFFFC00  }
0x16: {  	v0 =	vld [tilespmem:s31+$0x0]  }
0x17: {  	v1 =	vld [tilespmem:s31+$0x400];
	_ =	sdelay $0x3  }
0x18: {  	s3 =	simm.s32 $0x10;
	v5 =	vld [tilespmem:s31+$0x800]  }
0x19: {  	v2 =	vld [tilespmem:s3+$0x0];
	v0 =	vsub.f32 v0, v1  }
0x1a: {  	v3 =	vld [tilespmem:s3+$0x400]  }
0x1b: {  	v1 =	vmul.f32 v0, v0  }
0x1c: {  	v0 =	vimm.f32 $0.0e+00  }
0x1d: {  	s6 =	simm.s32 $0x80;
	v4 =	vmul.f32 v1, v5;
	v1 =	vadd.f32 v5, v0  }
.LBB2_1:
0x1e: {  	v5 =	vld [tilespmem:s3+$0x800];
	s3 =	sshra.s32 s6, $0x2;
	p0 =	sne.s32 s6, $0xFC0  }
.Ltmp0:
0x1f: {  	s6 =	sadd.s32 $0x40, s6;
	v6 =	vsub.f32 v2, v3;
	v2 =	vld [tilespmem:s3+$0x0];
	v0 =	vadd.f32 v4, v0;
	(pc) =	sbr.rel @p0 .LBB2_1-.Ltmp0, $3  }
0x20: {  	v3 =	vld [tilespmem:s3+$0x400]  }
0x21: {  	v4 =	vmul.f32 v6, v6;
	_ =	sdelay $0x1  }
0x22: {  	v4 =	vmul.f32 v4, v5;
	v1 =	vadd.f32 v5, v1  }
0x23: {  	v5 =	vld [tilespmem:s3+$0x800]  }
0x24: {  	v2 =	vsub.f32 v2, v3;
	_ =	sdelay $0x1  }
0x25: {  	v2 =	vmul.f32 v2, v2;
	_ =	sdelay $0x1  }
0x26: {  	v0 =	vadd.f32 v4, v0;
	v2 =	vmul.f32 v2, v5  }
0x27: {  	v1 =	vadd.f32 v5, v1  }
0x28: {  	v0 =	vadd.f32 v2, v0  }
0x29: {  	s2 =	sshrl.u32 s2, $0x2;
	[tilespmem:$0xC10] =	vst v1  }
0x2a: {  	s3 =	simm.s32 $0xC00;
	s2 =	sadd.s32 s2, s4;
	[tilespmem:$0xC00] =	vst v0  }
0x2b: {  	[spmem:s2] =	stream.linear.scatter [tilespmem:s3], [sflag:$0x2], $0x20, $0x38;
	[tilespmem:$0xEA0] =	vst v63  }
0x2c: {  	s2 =	simm.s32 $0x2  }
0x2d: {  	_ =	swait.ge [sflag:s2], $0x20  }
0x2e: {  	[sflag:s2] =	ssyncset.done $0x0  }
0x2f: {  	[sflag:s2] =	ssyncadd.s32 $0xFFFFFFE0  }
0x30: {  	p0 =	sne.s32 s5, $0x0;
	[bflag:$0x0] =	sbarrier.arrive $0xFFFF  }
0x31: {  	_ =	sfence.sel @p0 $0x180000  }
0x32: {  	[bflag:$0x0] =	sbarrier.arrive @p0 $0xFFFF  }
0x33: {  	_ =	strace @p0 $0x90000047  }
0x34: {  	[bflag:$0x2] =	sbarrier.arrive @p0 $0xFFFF  }
0x35: {  	_ =	shalt @p0  }
.LBB2_3:
0x36: {  	s5 =	simm.s32 $0xCA0  }
0x37: {  	[tilespmem:s5], [sflag:$0x2] =	stream.linear.gather [spmem:s4], $0x200, $0x38;
	[tilespmem:$0xEA0] =	vst v63  }
0x38: {  	_ =	swait.ge [sflag:s2], $0x200  }
0x39: {  	[sflag:s2] =	ssyncset.done $0x0  }
0x3a: {  	[sflag:s2] =	ssyncadd.s32 $0xFFFFFE00  }
0x3b: {  	v0 =	vld [tilespmem:$0xCA0]  }
0x3c: {  	v1 =	vld [tilespmem:$0xCB0]  }
0x3d: {  	v2 =	vld [tilespmem:$0xCC0]  }
0x3e: {  	v3 =	vld [tilespmem:$0xCD0]  }
0x3f: {  	v4 =	vld [tilespmem:$0xCE0]  }
0x40: {  	v5 =	vld [tilespmem:$0xCF0];
	v0 =	vadd.f32 $0.0e+00, v0  }
0x41: {  	v6 =	vld [tilespmem:$0xD00];
	v1 =	vadd.f32 $0.0e+00, v1  }
0x42: {  	v35 =	vld [tilespmem:$0xD10];
	v0 =	vadd.f32 v2, v0  }
0x43: {  	v36 =	vld [tilespmem:$0xD20];
	v1 =	vadd.f32 v3, v1  }
0x44: {  	v37 =	vld [tilespmem:$0xD30];
	v0 =	vadd.f32 v4, v0  }
0x45: {  	v38 =	vld [tilespmem:$0xD40];
	v1 =	vadd.f32 v5, v1  }
0x46: {  	v39 =	vld [tilespmem:$0xD50];
	v0 =	vadd.f32 v6, v0  }
0x47: {  	v40 =	vld [tilespmem:$0xD60];
	v1 =	vadd.f32 v35, v1  }
0x48: {  	v41 =	vld [tilespmem:$0xD70];
	v0 =	vadd.f32 v36, v0  }
0x49: {  	v42 =	vld [tilespmem:$0xD80];
	v1 =	vadd.f32 v37, v1  }
0x4a: {  	v43 =	vld [tilespmem:$0xD90];
	v0 =	vadd.f32 v38, v0  }
0x4b: {  	v44 =	vld [tilespmem:$0xDA0];
	v1 =	vadd.f32 v39, v1  }
0x4c: {  	v45 =	vld [tilespmem:$0xDB0];
	v0 =	vadd.f32 v40, v0  }
0x4d: {  	v46 =	vld [tilespmem:$0xDC0];
	v1 =	vadd.f32 v41, v1  }
0x4e: {  	v47 =	vld [tilespmem:$0xDD0];
	v0 =	vadd.f32 v42, v0  }
0x4f: {  	v48 =	vld [tilespmem:$0xDE0];
	v1 =	vadd.f32 v43, v1  }
0x50: {  	v49 =	vld [tilespmem:$0xDF0];
	v0 =	vadd.f32 v44, v0  }
0x51: {  	v50 =	vld [tilespmem:$0xE00];
	v1 =	vadd.f32 v45, v1  }
0x52: {  	v51 =	vld [tilespmem:$0xE10];
	v0 =	vadd.f32 v46, v0  }
0x53: {  	v52 =	vld [tilespmem:$0xE20];
	v1 =	vadd.f32 v47, v1  }
0x54: {  	v53 =	vld [tilespmem:$0xE30];
	v0 =	vadd.f32 v48, v0  }
0x55: {  	v54 =	vld [tilespmem:$0xE40];
	v1 =	vadd.f32 v49, v1  }
0x56: {  	v55 =	vld [tilespmem:$0xE50];
	v0 =	vadd.f32 v50, v0  }
0x57: {  	v56 =	vld [tilespmem:$0xE60];
	v1 =	vadd.f32 v51, v1  }
0x58: {  	v57 =	vld [tilespmem:$0xE70];
	v0 =	vadd.f32 v52, v0  }
0x59: {  	v58 =	vld [tilespmem:$0xE80];
	v1 =	vadd.f32 v53, v1  }
0x5a: {  	v59 =	vld [tilespmem:$0xE90];
	v0 =	vadd.f32 v54, v0  }
0x5b: {  	v1 =	vadd.f32 v55, v1  }
0x5c: {  	v0 =	vadd.f32 v56, v0  }
0x5d: {  	v1 =	vadd.f32 v57, v1  }
0x5e: {  	v0 =	vadd.f32 v58, v0  }
0x5f: {  	v1 =	vadd.f32 v59, v1  }
0x60: {  	(v2sf) =	vpush v0, $0x0  }
0x61: {  	(v2sf) =	vpush v1, $0x0  }
0x62: {  	(v2sf) =	vpush v0, $0x1  }
0x63: {  	(v2sf) =	vpush v1, $0x1  }
0x64: {  	(v2sf) =	vpush v0, $0x2  }
0x65: {  	(v2sf) =	vpush v1, $0x2  }
0x66: {  	(v2sf) =	vpush v0, $0x3  }
0x67: {  	(v2sf) =	vpush v1, $0x3  }
0x68: {  	(v2sf) =	vpush v0, $0x4  }
0x69: {  	(v2sf) =	vpush v1, $0x4  }
0x6a: {  	(v2sf) =	vpush v0, $0x5  }
0x6b: {  	(v2sf) =	vpush v1, $0x5  }
0x6c: {  	(v2sf) =	vpush v0, $0x6  }
0x6d: {  	(v2sf) =	vpush v1, $0x6  }
0x6e: {  	(v2sf) =	vpush v0, $0x7  }
0x6f: {  	s26 =	spop (v2sf);
	(v2sf) =	vpush v1, $0x7  }
0x70: {  	s28 =	spop (v2sf);
	(v2sf) =	vpush v0, $0x8  }
0x71: {  	s6 =	spop (v2sf);
	(v2sf) =	vpush v1, $0x8  }
0x72: {  	s7 =	spop (v2sf);
	(v2sf) =	vpush v0, $0x9  }
0x73: {  	s5 =	sadd.f32 s7, s28;
	s29 =	spop (v2sf);
	(v2sf) =	vpush v1, $0x9  }
0x74: {  	s8 =	spop (v2sf);
	(v2sf) =	vpush v0, $0xA  }
0x75: {  	s5 =	sadd.f32 s5, s8;
	s30 =	spop (v2sf);
	(v2sf) =	vpush v1, $0xA  }
0x76: {  	s9 =	spop (v2sf);
	(v2sf) =	vpush v0, $0xB  }
0x77: {  	s5 =	sadd.f32 s5, s9;
	s9 =	spop (v2sf);
	(v2sf) =	vpush v1, $0xB  }
0x78: {  	s10 =	spop (v2sf);
	(v2sf) =	vpush v0, $0xC  }
0x79: {  	s5 =	sadd.f32 s5, s10;
	s10 =	spop (v2sf);
	(v2sf) =	vpush v1, $0xC  }
0x7a: {  	s11 =	spop (v2sf);
	(v2sf) =	vpush v0, $0xD  }
0x7b: {  	s5 =	sadd.f32 s5, s11;
	s11 =	spop (v2sf);
	(v2sf) =	vpush v1, $0xD  }
0x7c: {  	s12 =	spop (v2sf);
	(v2sf) =	vpush v0, $0xE  }
0x7d: {  	s5 =	sadd.f32 s5, s12;
	s31 =	spop (v2sf);
	(v2sf) =	vpush v1, $0xE  }
0x7e: {  	s13 =	spop (v2sf);
	(v2sf) =	vpush v0, $0xF  }
0x7f: {  	s5 =	sadd.f32 s5, s13;
	s19 =	spop (v2sf);
	(v2sf) =	vpush v1, $0xF  }
0x80: {  	s14 =	spop (v2sf)  }
0x81: {  	s15 =	spop (v2sf);
	s5 =	sadd.f32 s5, s14  }
0x82: {  	s20 =	spop (v2sf)  }
0x83: {  	s16 =	spop (v2sf);
	s5 =	sadd.f32 s5, s20  }
0x84: {  	s21 =	spop (v2sf)  }
0x85: {  	s17 =	spop (v2sf);
	s5 =	sadd.f32 s5, s21  }
0x86: {  	s22 =	spop (v2sf)  }
0x87: {  	s18 =	spop (v2sf);
	s5 =	sadd.f32 s5, s22  }
0x88: {  	s23 =	spop (v2sf)  }
0x89: {  	s5 =	sadd.f32 s5, s23;
	s24 =	spop (v2sf)  }
0x8a: {  	s4 =	sadd.f32 s6, s26;
	s25 =	spop (v2sf)  }
0x8b: {  	s5 =	sadd.f32 s5, s25;
	s26 =	spop (v2sf)  }
0x8c: {  	s4 =	sadd.f32 s4, s29;
	s28 =	spop (v2sf)  }
0x8d: {  	s5 =	sadd.f32 s5, s28;
	s29 =	spop (v2sf)  }
0x8e: {  	s4 =	sadd.f32 s4, s30;
	s30 =	spop (v2sf)  }
0x8f: {  	s5 =	sadd.f32 s5, s30;
	_ =	sdelay $0x1  }
0x90: {  	s4 =	sadd.f32 s4, s9;
	v60 =	vmov s5  }
0x91: {  	v61 =	vmax.f32 v60, $1.000000000e+00  }
0x92: {  	s4 =	sadd.f32 s4, s10;
	(erf) = vrcp.f32 v61;
	_ =	sdelay $0x1  }
0x93: {  	s4 =	sadd.f32 s4, s11;
	_ =	sdelay $0x1  }
0x94: {  	s4 =	sadd.f32 s4, s31;
	_ =	sdelay $0x1  }
0x95: {  	s4 =	sadd.f32 s4, s19;
	_ =	sdelay $0x1  }
0x96: {  	s4 =	sadd.f32 s4, s15  }
0x97: {  	v62 =	vpop (erf)  }
0x98: {  	s4 =	sadd.f32 s4, s16;
	v63 =	vmul.f32 v62, v61;
	_ =	sdelay $0x1  }
0x99: {  	s4 =	sadd.f32 s4, s17;
	v3 =	vsub.f32 $2.000000000e+00, v63;
	_ =	sdelay $0x1  }
0x9a: {  	s4 =	sadd.f32 s4, s18;
	v2 =	vmul.f32 v3, v62;
	_ =	sdelay $0x1  }
0x9b: {  	s4 =	sadd.f32 s4, s24;
	v1 =	vmul.f32 v2, v61;
	_ =	sdelay $0x1  }
0x9c: {  	s4 =	sadd.f32 s4, s26;
	v1 =	vsub.f32 $2.000000000e+00, v1;
	_ =	sdelay $0x1  }
0x9d: {  	s4 =	sadd.f32 s4, s29;
	v1 =	vmul.f32 v1, v2;
	_ =	sdelay $0x1  }
0x9e: {  	v1 =	vmul.f32 s4, v1  }
0x9f: {  	vm0 =	vgt.f32 v60, $0.0e+00  }
0xa0: {  	v0 =	vnsel vm0, $0x0, v1  }
0xa1: {  	s31 =	simm.s32 $0x0;
	[tilespmem:$0xC00] =	vst v0  }
0xa2: {  	[hbm4b:s1+s31] =	stream.linear.scatter [tilespmem:s3], [sflag:$0x2], $0x10, $0x38;
	[tilespmem:$0xEA0] =	vst v63  }
0xa3: {  	_ =	swait.ge [sflag:s2], $0x10  }
0xa4: {  	[sflag:s2] =	ssyncset.done $0x0  }
0xa5: {  	[sflag:s2] =	ssyncadd.s32 $0xFFFFFFF0  }
0xa6: {  	_ =	sfence.sel $0x180000  }
0xa7: {  	[bflag:$0x0] =	sbarrier.arrive $0xFFFF  }
0xa8: {  	_ =	strace $0x90000047  }
0xa9: {  	s0 =	sadd.s32 $0x100000, s0;
	[bflag:$0x2] =	sbarrier.arrive $0xFFFF  }
0xaa: {  	[sflag:s0] =	ssyncadd.tile.s32 $0x1;
	_ =	shalt  }
.Lfunc_end2:
_tile_overlayer_lowered:
.L_overlay_start_2:
0xab: {  	(tag) =	ssettag $0x2  }
0xac: {  	s0 =	rddreg [dreg:$0x0];
	s2 =	stileid.u32  }
0xad: {  	s1 =	rddreg [dreg:$0x1];
	p0 =	sne.s32 s2, $0x0  }
0xae: {  	s3 =	rddreg [dreg:$0x2];
	[bflag:$0x3] =	sbarrier.arrive $0xFFFF;
	s2 =	simm.s32 @!p0 $0x1C02  }
0xaf: {  	[timem:s3], [sflag:s2] =	dma.local @!p0 [hbm:s0], s1  }
0xb0: {  	s0 =	simm.s32 @!p0 $0x2  }
0xb1: {  	_ =	swait.ge @!p0 [sflag:s0], s1  }
0xb2: {  	s1 =	ssub.s32 @!p0 $0x0, s1;
	[sflag:s0] =	ssyncset.done @!p0 $0x0  }
0xb3: {  	[sflag:s0] =	ssyncadd.s32 @!p0 s1  }
0xb4: {  	[bflag:$0x3] =	sbarrier.arrive $0xFFFF  }
0xb5: {  	_ =	shalt  }

</sc_bundles>
